<compile_context>
chip_gen: v7x
topology: tpu7x:2x2x1
jax: 0.10.2.dev20260603
libtpu: 0.0.44.dev20260713+nightly
codegen_flags: <defaults>
</compile_context>

<pallas_src>
import functools

import jax
import jax.numpy as jnp
from jax import lax
from jax.experimental import pallas as pl
from jax.experimental.pallas import tpu as pltpu
from jax.experimental.pallas import tpu_sc as plsc

_DEFAULT = jax.lax.Precision.DEFAULT

FEATURE_DIM = 1024
HIDDEN = 512
CODEBOOK_DIM = 512
CODEBOOK_SIZE = 256

TM1 = 512
TM2 = 2048


def _scores_body(x_ref, w1_ref, b1_ref, w2_ref, b2_ref, cb_ref, sq_ref):
    h = jnp.maximum(
        jnp.dot(x_ref[...], w1_ref[...], preferred_element_type=jnp.float32,
                precision=_DEFAULT) + b1_ref[...], 0.0)
    e = jnp.dot(h, w2_ref[...], preferred_element_type=jnp.float32,
                precision=_DEFAULT) + b2_ref[...]
    cb = cb_ref[...]
    scores = jax.lax.dot_general(
        e, cb, (((1,), (1,)), ((), ())),
        preferred_element_type=jnp.float32, precision=_DEFAULT)
    enorm = jnp.sum(e * e, axis=1, keepdims=True)
    cnorm = jnp.sum(cb * cb, axis=1)[None, :]
    sq_ref[...] = enorm + cnorm - 2.0 * scores


def _argmin_body(sq_ref, idx_ref, loss_ref):
    sq = sq_ref[...]
    dist = jnp.sqrt(jnp.maximum(sq, 0.0))
    iota = jax.lax.broadcasted_iota(jnp.int32, (TM2, CODEBOOK_SIZE), 1)
    dmin = jnp.min(dist, axis=1, keepdims=True)
    idx = jnp.min(jnp.where(dist == dmin, iota, CODEBOOK_SIZE),
                  axis=1).astype(jnp.int32)
    idx_ref[0, 0, :] = idx
    onehot = (idx[:, None] == iota).astype(jnp.float32)
    sel = jnp.maximum(jnp.sum(onehot * sq, axis=1), 0.0)
    part = jnp.sum(sel, keepdims=True)[None, :]

    @pl.when(pl.program_id(0) == 0)
    def _():
        loss_ref[...] = jnp.zeros_like(part)

    loss_ref[...] += part


def _make_gather(n_total, n_sc):
    info = plsc.get_sparse_core_info()
    nw = info.num_cores * info.num_subcores
    b_per_w = n_sc // nw
    chunk = min(64, b_per_w)
    nchunks = b_per_w // chunk
    mesh = plsc.VectorSubcoreMesh(core_axis_name="c", subcore_axis_name="s")

    @functools.partial(
        pl.kernel, mesh=mesh,
        out_type=jax.ShapeDtypeStruct((n_total, CODEBOOK_DIM), jnp.float32),
        scratch_types=[
            pltpu.VMEM((b_per_w,), jnp.int32),
            pltpu.VMEM((2, chunk, CODEBOOK_DIM), jnp.float32),
            pltpu.SemaphoreType.DMA,
            pltpu.SemaphoreType.DMA,
        ],
    )
    def gather(table_hbm, idx_hbm, out_hbm, idx_v, rows_v, sem0, sem1):
        wid = lax.axis_index("s") * info.num_cores + lax.axis_index("c")
        base = wid * b_per_w
        pltpu.sync_copy(idx_hbm.at[pl.ds(base, b_per_w)], idx_v)
        sems = (sem0, sem1)

        def fire(c, slot):
            pltpu.async_copy(
                table_hbm.at[idx_v.at[pl.ds(c * chunk, chunk)]],
                rows_v.at[slot], sems[slot])

        fire(0, 0)
        for c in range(nchunks):
            slot = c % 2
            if c + 1 < nchunks:
                fire(c + 1, 1 - slot)
            pltpu.make_async_copy(
                table_hbm.at[idx_v.at[pl.ds(c * chunk, chunk)]],
                rows_v.at[slot], sems[slot]).wait()
            pltpu.sync_copy(rows_v.at[slot],
                            out_hbm.at[pl.ds(base + c * chunk, chunk)])

    return gather


TM4 = 1024


def _tc_gather_body(idx_ref, cb_ref, qin_ref, q_ref):
    idx = idx_ref[0, 0, :]
    onehot = (idx[:, None] == jax.lax.broadcasted_iota(
        jnp.int32, (TM4, CODEBOOK_SIZE), 1)).astype(jnp.float32)
    cb = cb_ref[...]
    cb_hi = cb.astype(jnp.bfloat16).astype(jnp.float32)
    cb_lo = cb - cb_hi
    q_ref[...] = (
        jnp.dot(onehot, cb_hi, preferred_element_type=jnp.float32,
                precision=_DEFAULT)
        + jnp.dot(onehot, cb_lo, preferred_element_type=jnp.float32,
                  precision=_DEFAULT))


def _tc_gather(idx_flat, codebook, q_head):
    n = idx_flat.shape[0]
    off = N_SC // TM4
    g = n // TM4 - off
    return pl.pallas_call(
        _tc_gather_body,
        grid=(g,),
        in_specs=[
            pl.BlockSpec((1, 1, TM4), lambda i, off=off: (i + off, 0, 0)),
            pl.BlockSpec((CODEBOOK_SIZE, CODEBOOK_DIM), lambda i: (0, 0)),
            pl.BlockSpec(memory_space=pltpu.MemorySpace.HBM),
        ],
        out_specs=[pl.BlockSpec((TM4, CODEBOOK_DIM),
                                lambda i, off=off: (i + off, 0))],
        out_shape=[jax.ShapeDtypeStruct((n, CODEBOOK_DIM), jnp.float32)],
        input_output_aliases={2: 0},
    )(idx_flat.reshape(n // TM4, 1, TM4), codebook, q_head)[0]


N_SC = 1024


def _encode_chunk(xc, W1, b1r, W2, b2r, codebook):
    nc, Dx = xc.shape
    sq = pl.pallas_call(
        _scores_body,
        grid=(nc // TM1,),
        in_specs=[
            pl.BlockSpec((TM1, Dx), lambda i: (i, 0)),
            pl.BlockSpec((Dx, HIDDEN), lambda i: (0, 0)),
            pl.BlockSpec((1, HIDDEN), lambda i: (0, 0)),
            pl.BlockSpec((HIDDEN, CODEBOOK_DIM), lambda i: (0, 0)),
            pl.BlockSpec((1, CODEBOOK_DIM), lambda i: (0, 0)),
            pl.BlockSpec((CODEBOOK_SIZE, CODEBOOK_DIM), lambda i: (0, 0)),
        ],
        out_specs=[pl.BlockSpec((TM1, CODEBOOK_SIZE), lambda i: (i, 0))],
        out_shape=[jax.ShapeDtypeStruct((nc, CODEBOOK_SIZE), jnp.float32)],
    )(xc, W1, b1r, W2, b2r, codebook)[0]

    g2 = nc // TM2
    idx_out, loss_out = pl.pallas_call(
        _argmin_body,
        grid=(g2,),
        in_specs=[pl.BlockSpec((TM2, CODEBOOK_SIZE), lambda i: (i, 0))],
        out_specs=[
            pl.BlockSpec((1, 1, TM2), lambda i: (i, 0, 0)),
            pl.BlockSpec((1, 1), lambda i: (0, 0)),
        ],
        out_shape=[
            jax.ShapeDtypeStruct((g2, 1, TM2), jnp.int32),
            jax.ShapeDtypeStruct((1, 1), jnp.float32),
        ],
    )(sq)
    return idx_out.reshape(nc), loss_out[0, 0]


@jax.jit
def kernel(x, W1, b1, W2, b2, codebook):
    Bx, Tx, Dx = x.shape
    n = Bx * Tx
    xf = x.reshape(n, Dx)
    b1r = b1.reshape(1, HIDDEN)
    b2r = b2.reshape(1, CODEBOOK_DIM)

    idx_flat, loss_sum = _encode_chunk(xf, W1, b1r, W2, b2r, codebook)

    q_head = _make_gather(n, N_SC)(
        codebook, jax.lax.slice(idx_flat, (0,), (N_SC,)))
    quantized = _tc_gather(idx_flat, codebook, q_head).reshape(
        Bx, Tx, CODEBOOK_DIM)

    token_indices = idx_flat.reshape(Bx, Tx)
    denom = jnp.float32(n * CODEBOOK_DIM)
    commitment_loss = loss_sum / denom
    codebook_loss = commitment_loss
    vq_loss = commitment_loss + 0.25 * codebook_loss
    return (token_indices, quantized, commitment_loss, codebook_loss,
            vq_loss)

# --- scband reference (transcript-rebuilt; emitter-appended) ---
"""Pipeline reference for scband-simple-vqsign-71107478553202 (READ-ONLY COPY).

The authoritative reference and input builder live on the scoring server;
editing this copy changes nothing except your own understanding.
"""

import jax, jax.numpy as jnp
import numpy as np

FEATURE_DIM = 1024
HIDDEN = 512
CODEBOOK_DIM = 512
CODEBOOK_SIZE = 256
B, T = 32, 1024


def setup_inputs(seed: int = 0) -> dict:
    key = jax.random.key(seed)
    ks = jax.random.split(key, 6)
    x = jax.random.normal(ks[0], (B, T, FEATURE_DIM), dtype=jnp.float32)
    W1 = jax.random.normal(ks[1], (FEATURE_DIM, HIDDEN), dtype=jnp.float32) * (1.0 / np.sqrt(FEATURE_DIM))
    b1 = jnp.zeros((HIDDEN,), dtype=jnp.float32)
    W2 = jax.random.normal(ks[2], (HIDDEN, CODEBOOK_DIM), dtype=jnp.float32) * (1.0 / np.sqrt(HIDDEN))
    b2 = jnp.zeros((CODEBOOK_DIM,), dtype=jnp.float32)
    codebook = jax.random.uniform(ks[3], (CODEBOOK_SIZE, CODEBOOK_DIM), dtype=jnp.float32, minval=-0.1, maxval=0.1)
    return {"x": x, "W1": W1, "b1": b1, "W2": W2, "b2": b2, "codebook": codebook}


def reference(x, W1, b1, W2, b2, codebook):
    Bx, Tx, Dx = x.shape
    # encoder applied per-timestep is equivalent to batched matmul over [B*T, D]
    h = jnp.maximum(jnp.einsum('btd,dh->bth', x, W1) + b1, 0.0)
    encoded = jnp.einsum('bth,hc->btc', h, W2) + b2
    flat_encoded = encoded.reshape(-1, codebook.shape[1])
    # torch.cdist (p=2): euclidean distances
    sq = (jnp.sum(flat_encoded ** 2, axis=1, keepdims=True)
          + jnp.sum(codebook ** 2, axis=1)[None, :]
          - 2.0 * flat_encoded @ codebook.T)
    distances = jnp.sqrt(jnp.clip(sq, 0.0, None))
    token_indices = jnp.argmin(distances, axis=-1)
    quantized = jnp.take(codebook, token_indices, axis=0).reshape(Bx, Tx, codebook.shape[1])
    commitment_loss = jnp.mean((encoded - jax.lax.stop_gradient(quantized)) ** 2)
    codebook_loss = jnp.mean((quantized - jax.lax.stop_gradient(encoded)) ** 2)
    vq_loss = commitment_loss + 0.25 * codebook_loss
    return (token_indices.reshape(Bx, Tx), quantized, commitment_loss, codebook_loss, vq_loss)

if __name__ == "__main__":
    import jax
    _d = setup_inputs()
    print(jax.jit(kernel)(*tuple(_d.values())))

</pallas_src>

<mosaic_0001>
#map = affine_map<(d0, d1) -> (0, 0)>
#map1 = affine_map<(d0, d1) -> (0)>
module attributes {stable_mosaic.version = 14 : i64} {
  func.func @gather(%arg0: i32, %arg1: i32, %arg2: memref<256x512xf32, #tpu.memory_space<hbm>>, %arg3: memref<1024xi32, #tpu.memory_space<hbm>>, %arg4: memref<32768x512xf32, #tpu.memory_space<hbm>>, %arg5: memref<32xi32, #tpu.memory_space<vmem>>, %arg6: memref<2x32x512xf32, #tpu.memory_space<vmem>>, %arg7: memref<!tpu.dma_semaphore, #tpu.memory_space<semaphore_mem>>, %arg8: memref<!tpu.dma_semaphore, #tpu.memory_space<semaphore_mem>>) attributes {dimension_semantics = [#tpu.dimension_semantics<core_parallel>, #tpu.dimension_semantics<subcore_parallel>], iteration_bounds = array<i64: 2, 16>, scalar_prefetch = 0 : i64, scratch_operands = 4 : i64, tpu.core_type = #tpu.core_type<sc_vector_subcore>, window_params = [{transform_indices = #map}, {transform_indices = #map1}, {transform_indices = #map}]} {
    %mul3A = arith.constant 2 : i32
    %mul3A_0 = arith.muli %arg1, %mul3A : i32
    %add3A = arith.addi %mul3A_0, %arg0 : i32
    %mul3A_1 = arith.constant 32 : i32
    %mul3A_2 = arith.muli %add3A, %mul3A_1 : i32
    "tpu.region"() ({
      %run_scoped3A_23 = tpu.sem_alloc : memref<!tpu.dma_semaphore, #tpu.memory_space<semaphore_mem>>
      %dma_start3A_24 = tpu.memref_slice %arg3[%mul3A_2] : memref<1024xi32, #tpu.memory_space<hbm>> -> memref<32xi32, #tpu.memory_space<hbm>>
      %dma_start3A_25 = tpu.memref_slice %arg3[%mul3A_2] : memref<1024xi32, #tpu.memory_space<hbm>> -> memref<32xi32, #tpu.memory_space<hbm>>
      tpu.enqueue_dma source(%dma_start3A_25 : memref<32xi32, #tpu.memory_space<hbm>>) target(%arg5 : memref<32xi32, #tpu.memory_space<vmem>>) target_semaphore(%run_scoped3A_23 : memref<!tpu.dma_semaphore, #tpu.memory_space<semaphore_mem>>)
      %dma_wait3A_26 = tpu.memref_slice %arg3[%mul3A_2] : memref<1024xi32, #tpu.memory_space<hbm>> -> memref<32xi32, #tpu.memory_space<hbm>>
      %dma_wait3A_27 = tpu.memref_slice %arg3[%mul3A_2] : memref<1024xi32, #tpu.memory_space<hbm>> -> memref<32xi32, #tpu.memory_space<hbm>>
      tpu.wait_dma2 semaphore(%run_scoped3A_23 : memref<!tpu.dma_semaphore, #tpu.memory_space<semaphore_mem>>) src(%dma_wait3A_27 : memref<32xi32, #tpu.memory_space<hbm>>) dst(%arg5 : memref<32xi32, #tpu.memory_space<vmem>>)
      tpu.yield
    }) : () -> ()
    %dma_start3A = arith.constant 0 : i32
    %dma_start3A_3 = arith.constant 0 : i32
    %dma_start3A_4 = arith.constant 0 : i32
    %dma_start3A_5 = tpu.memref_slice %arg6[%dma_start3A, %dma_start3A_3, %dma_start3A_4] : memref<2x32x512xf32, #tpu.memory_space<vmem>> -> memref<1x32x512xf32, #tpu.memory_space<vmem>>
    %dma_start3A_6 = tpu.memref_squeeze %dma_start3A_5 : memref<1x32x512xf32, #tpu.memory_space<vmem>> -> memref<32x512xf32, #tpu.memory_space<vmem>>
    %dma_start3A_7 = arith.constant 0 : i32
    %dma_start3A_8 = tpu.memref_slice %arg5[%dma_start3A_7] : memref<32xi32, #tpu.memory_space<vmem>> -> memref<32xi32, #tpu.memory_space<vmem>>
    %dma_start3A_9 = arith.constant 0 : i32
    %dma_start3A_10 = arith.constant 0 : i32
    %dma_start3A_11 = tpu.memref_slice %arg2[%dma_start3A_9, %dma_start3A_10] : memref<256x512xf32, #tpu.memory_space<hbm>> -> memref<256x512xf32, #tpu.memory_space<hbm>>
    tpu.enqueue_indirect_dma source(%dma_start3A_11 : memref<256x512xf32, #tpu.memory_space<hbm>>) target(%dma_start3A_6 : memref<32x512xf32, #tpu.memory_space<vmem>>) offsets(%dma_start3A_8 : memref<32xi32, #tpu.memory_space<vmem>>) semaphore(%arg7 : memref<!tpu.dma_semaphore, #tpu.memory_space<semaphore_mem>>)
    %dma_wait3A = arith.constant 0 : i32
    %dma_wait3A_12 = arith.constant 0 : i32
    %dma_wait3A_13 = arith.constant 0 : i32
    %dma_wait3A_14 = tpu.memref_slice %arg6[%dma_wait3A, %dma_wait3A_12, %dma_wait3A_13] : memref<2x32x512xf32, #tpu.memory_space<vmem>> -> memref<1x32x512xf32, #tpu.memory_space<vmem>>
    %dma_wait3A_15 = tpu.memref_squeeze %dma_wait3A_14 : memref<1x32x512xf32, #tpu.memory_space<vmem>> -> memref<32x512xf32, #tpu.memory_space<vmem>>
    %dma_wait3A_16 = arith.constant 0 : i32
    %dma_wait3A_17 = tpu.memref_slice %arg5[%dma_wait3A_16] : memref<32xi32, #tpu.memory_space<vmem>> -> memref<32xi32, #tpu.memory_space<vmem>>
    %dma_wait3A_18 = arith.constant 0 : i32
    %dma_wait3A_19 = arith.constant 0 : i32
    %dma_wait3A_20 = tpu.memref_slice %arg2[%dma_wait3A_18, %dma_wait3A_19] : memref<256x512xf32, #tpu.memory_space<hbm>> -> memref<256x512xf32, #tpu.memory_space<hbm>>
    tpu.wait_indirect_dma semaphore(%arg7 : memref<!tpu.dma_semaphore, #tpu.memory_space<semaphore_mem>>) src(%dma_wait3A_20 : memref<256x512xf32, #tpu.memory_space<hbm>>) dst(%dma_wait3A_15 : memref<32x512xf32, #tpu.memory_space<vmem>>)
    %add3A_21 = arith.constant 0 : i32
    %add3A_22 = arith.addi %mul3A_2, %add3A_21 : i32
    %run_scoped3A = arith.constant 0 : i32
    "tpu.region"() ({
      %run_scoped3A_23 = tpu.sem_alloc : memref<!tpu.dma_semaphore, #tpu.memory_space<semaphore_mem>>
      %dma_start3A_24 = arith.constant 0 : i32
      %dma_start3A_25 = arith.constant 0 : i32
      %dma_start3A_26 = tpu.memref_slice %arg6[%run_scoped3A, %dma_start3A_24, %dma_start3A_25] : memref<2x32x512xf32, #tpu.memory_space<vmem>> -> memref<1x32x512xf32, #tpu.memory_space<vmem>>
      %dma_start3A_27 = tpu.memref_squeeze %dma_start3A_26 : memref<1x32x512xf32, #tpu.memory_space<vmem>> -> memref<32x512xf32, #tpu.memory_space<vmem>>
      %dma_start3A_28 = arith.constant 0 : i32
      %dma_start3A_29 = tpu.memref_slice %arg4[%add3A_22, %dma_start3A_28] : memref<32768x512xf32, #tpu.memory_space<hbm>> -> memref<32x512xf32, #tpu.memory_space<hbm>>
      %dma_start3A_30 = arith.constant 0 : i32
      %dma_start3A_31 = tpu.memref_slice %arg4[%add3A_22, %dma_start3A_30] : memref<32768x512xf32, #tpu.memory_space<hbm>> -> memref<32x512xf32, #tpu.memory_space<hbm>>
      %dma_start3A_32 = arith.constant 0 : i32
      %dma_start3A_33 = arith.constant 0 : i32
      %dma_start3A_34 = tpu.memref_slice %arg6[%run_scoped3A, %dma_start3A_32, %dma_start3A_33] : memref<2x32x512xf32, #tpu.memory_space<vmem>> -> memref<1x32x512xf32, #tpu.memory_space<vmem>>
      %dma_start3A_35 = tpu.memref_squeeze %dma_start3A_34 : memref<1x32x512xf32, #tpu.memory_space<vmem>> -> memref<32x512xf32, #tpu.memory_space<vmem>>
      tpu.enqueue_dma source(%dma_start3A_35 : memref<32x512xf32, #tpu.memory_space<vmem>>) target(%dma_start3A_31 : memref<32x512xf32, #tpu.memory_space<hbm>>) target_semaphore(%run_scoped3A_23 : memref<!tpu.dma_semaphore, #tpu.memory_space<semaphore_mem>>)
      %dma_wait3A_36 = arith.constant 0 : i32
      %dma_wait3A_37 = arith.constant 0 : i32
      %dma_wait3A_38 = tpu.memref_slice %arg6[%run_scoped3A, %dma_wait3A_36, %dma_wait3A_37] : memref<2x32x512xf32, #tpu.memory_space<vmem>> -> memref<1x32x512xf32, #tpu.memory_space<vmem>>
      %dma_wait3A_39 = tpu.memref_squeeze %dma_wait3A_38 : memref<1x32x512xf32, #tpu.memory_space<vmem>> -> memref<32x512xf32, #tpu.memory_space<vmem>>
      %dma_wait3A_40 = arith.constant 0 : i32
      %dma_wait3A_41 = tpu.memref_slice %arg4[%add3A_22, %dma_wait3A_40] : memref<32768x512xf32, #tpu.memory_space<hbm>> -> memref<32x512xf32, #tpu.memory_space<hbm>>
      %dma_wait3A_42 = arith.constant 0 : i32
      %dma_wait3A_43 = tpu.memref_slice %arg4[%add3A_22, %dma_wait3A_42] : memref<32768x512xf32, #tpu.memory_space<hbm>> -> memref<32x512xf32, #tpu.memory_space<hbm>>
      %dma_wait3A_44 = arith.constant 0 : i32
      %dma_wait3A_45 = arith.constant 0 : i32
      %dma_wait3A_46 = tpu.memref_slice %arg6[%run_scoped3A, %dma_wait3A_44, %dma_wait3A_45] : memref<2x32x512xf32, #tpu.memory_space<vmem>> -> memref<1x32x512xf32, #tpu.memory_space<vmem>>
      %dma_wait3A_47 = tpu.memref_squeeze %dma_wait3A_46 : memref<1x32x512xf32, #tpu.memory_space<vmem>> -> memref<32x512xf32, #tpu.memory_space<vmem>>
      tpu.wait_dma2 semaphore(%run_scoped3A_23 : memref<!tpu.dma_semaphore, #tpu.memory_space<semaphore_mem>>) src(%dma_wait3A_47 : memref<32x512xf32, #tpu.memory_space<vmem>>) dst(%dma_wait3A_43 : memref<32x512xf32, #tpu.memory_space<hbm>>)
      tpu.yield
    }) : () -> ()
    return
  }
}

module attributes {stable_mosaic.version = 14 : i64} {
  func.func @_argmin_body(%arg0: i32, %arg1: memref<2048x256xf32, #tpu.memory_space<vmem>>, %arg2: memref<1x1x2048xi32, #tpu.memory_space<vmem>>, %arg3: memref<1x1xf32, #tpu.memory_space<vmem>>) attributes {dimension_semantics = [#tpu.dimension_semantics<arbitrary>], iteration_bounds = array<i64: 16>, scalar_prefetch = 0 : i64, scratch_operands = 0 : i64, tpu.core_type = #tpu.core_type<tc>, window_params = [{transform_indices = @transform_0, window_bounds = array<i64: 2048, 256>}, {transform_indices = @transform_1, window_bounds = array<i64: 1, 1, 2048>}, {pipeline_mode = #tpu.pipeline_mode<synchronous>, transform_indices = @transform_2, window_bounds = array<i64: 1, 1>}]} {
    %get3A = arith.constant 0 : index
    %get3A_0 = arith.constant 0 : index
    %get3A_1 = vector.load %arg1[%get3A, %get3A_0] : memref<2048x256xf32, #tpu.memory_space<vmem>>, vector<2048x256xf32>
    %max3A = arith.constant 0.000000e+00 : f32
    %max3A_2 = vector.broadcast %max3A : f32 to vector<2048x256xf32>
    %max3A_3 = arith.maximumf %get3A_1, %max3A_2 : vector<2048x256xf32>
    %sqrt3A = math.sqrt %max3A_3 : vector<2048x256xf32>
    %iota3A = tpu.iota {dimensions = array<i32: 1>} : vector<2048x256xi32>
    %reduce_min3A = arith.constant dense<0x7F800000> : vector<2048xf32>
    %reduce_min3A_4 = vector.multi_reduction <minimumf>, %sqrt3A, %reduce_min3A [1] : vector<2048x256xf32> to vector<2048xf32>
    %broadcast_in_dim3A = vector.shape_cast %reduce_min3A_4 : vector<2048xf32> to vector<2048x1xf32>
    %eq3A = vector.broadcast %broadcast_in_dim3A : vector<2048x1xf32> to vector<2048x256xf32>
    %eq3A_5 = arith.cmpf oeq, %sqrt3A, %eq3A : vector<2048x256xf32>
    %jit3A = arith.constant 256 : i32
    %broadcast_in_dim3A_6 = vector.broadcast %jit3A : i32 to vector<2048x256xi32>
    %select_n3A = arith.select %eq3A_5, %iota3A, %broadcast_in_dim3A_6 : vector<2048x256xi1>, vector<2048x256xi32>
    %reduce_min3A_7 = arith.constant dense<2147483647> : vector<2048xi32>
    %reduce_min3A_8 = vector.multi_reduction <minsi>, %select_n3A, %reduce_min3A_7 [1] : vector<2048x256xi32> to vector<2048xi32>
    %swap3A = arith.constant 0 : index
    %swap3A_9 = arith.constant 0 : index
    %swap3A_10 = arith.constant 0 : index
    %swap3A_11 = vector.load %arg2[%swap3A, %swap3A_9, %swap3A_10] : memref<1x1x2048xi32, #tpu.memory_space<vmem>>, vector<1x1x2048xi32>
    %swap3A_12 = vector.shape_cast %swap3A_11 : vector<1x1x2048xi32> to vector<2048xi32>
    %swap3A_13 = vector.shape_cast %reduce_min3A_8 : vector<2048xi32> to vector<1x1x2048xi32>
    tpu.vector_store %arg2[%swap3A, %swap3A_9, %swap3A_10], %swap3A_13 {strides = array<i32>} : memref<1x1x2048xi32, #tpu.memory_space<vmem>>, vector<1x1x2048xi32>,
    %broadcast_in_dim3A_14 = vector.shape_cast %reduce_min3A_8 : vector<2048xi32> to vector<2048x1xi32>
    %eq3A_15 = vector.broadcast %broadcast_in_dim3A_14 : vector<2048x1xi32> to vector<2048x256xi32>
    %eq3A_16 = arith.cmpi eq, %eq3A_15, %iota3A : vector<2048x256xi32>
    %convert_element_type3A = arith.extui %eq3A_16 : vector<2048x256xi1> to vector<2048x256xi32>
    %convert_element_type3A_17 = arith.sitofp %convert_element_type3A : vector<2048x256xi32> to vector<2048x256xf32>
    %mul3A = arith.mulf %convert_element_type3A_17, %get3A_1 : vector<2048x256xf32>
    %reduce_sum3A = arith.constant dense<0.000000e+00> : vector<2048xf32>
    %reduce_sum3A_18 = vector.multi_reduction <add>, %mul3A, %reduce_sum3A [1] : vector<2048x256xf32> to vector<2048xf32>
    %max3A_19 = arith.constant 0.000000e+00 : f32
    %max3A_20 = vector.broadcast %max3A_19 : f32 to vector<2048xf32>
    %max3A_21 = arith.maximumf %reduce_sum3A_18, %max3A_20 : vector<2048xf32>
    %reduce_sum3A_22 = vector.shape_cast %max3A_21 : vector<2048xf32> to vector<1x2048xf32>
    %reduce_sum3A_23 = arith.constant dense<0.000000e+00> : vector<1xf32>
    %reduce_sum3A_24 = vector.multi_reduction <add>, %reduce_sum3A_22, %reduce_sum3A_23 [1] : vector<1x2048xf32> to vector<1xf32>
    %reduce_sum3A_25 = vector.shape_cast %reduce_sum3A_24 : vector<1xf32> to vector<1x1xf32>
    %reduce_sum3A_26 = vector.extract %reduce_sum3A_25[0, 0] : f32 from vector<1x1xf32>
    %broadcast_in_dim3A_27 = vector.broadcast %reduce_sum3A_26 : f32 to vector<1xf32>
    %broadcast_in_dim3A_28 = vector.shape_cast %broadcast_in_dim3A_27 : vector<1xf32> to vector<1x1xf32>
    %eq3A_29 = arith.constant 0 : i32
    %eq3A_30 = arith.cmpi eq, %arg0, %eq3A_29 : i32
    %convert_element_type3A_31 = arith.extui %eq3A_30 : i1 to i32
    %cond3A = arith.constant 0 : i32
    %cond3A_32 = arith.cmpi ne, %convert_element_type3A_31, %cond3A : i32
    scf.if %cond3A_32 {
      %broadcast_in_dim3A_39 = arith.constant 0.000000e+00 : f32
      %broadcast_in_dim3A_40 = vector.broadcast %broadcast_in_dim3A_39 : f32 to vector<1x1xf32>
      %swap3A_41 = arith.constant 0 : index
      %swap3A_42 = arith.constant 0 : index
      %swap3A_43 = vector.load %arg3[%swap3A_41, %swap3A_42] : memref<1x1xf32, #tpu.memory_space<vmem>>, vector<1x1xf32>
      tpu.vector_store %arg3[%swap3A_41, %swap3A_42], %broadcast_in_dim3A_40 {strides = array<i32>} : memref<1x1xf32, #tpu.memory_space<vmem>>, vector<1x1xf32>,
    } else {
    }
    %get3A_33 = arith.constant 0 : index
    %get3A_34 = arith.constant 0 : index
    %get3A_35 = vector.load %arg3[%get3A_33, %get3A_34] : memref<1x1xf32, #tpu.memory_space<vmem>>, vector<1x1xf32>
    %add3A = arith.addf %get3A_35, %broadcast_in_dim3A_28 : vector<1x1xf32>
    %swap3A_36 = arith.constant 0 : index
    %swap3A_37 = arith.constant 0 : index
    %swap3A_38 = vector.load %arg3[%swap3A_36, %swap3A_37] : memref<1x1xf32, #tpu.memory_space<vmem>>, vector<1x1xf32>
    tpu.vector_store %arg3[%swap3A_36, %swap3A_37], %add3A {strides = array<i32>} : memref<1x1xf32, #tpu.memory_space<vmem>>, vector<1x1xf32>,
    return
  }
  func.func @transform_0(%arg0: i32) -> (i32, i32) {
    %c0_i32 = arith.constant 0 : i32
    %c0_i32_0 = arith.constant 0 : i32
    return %arg0, %c0_i32 : i32, i32
  }
  func.func @transform_1(%arg0: i32) -> (i32, i32, i32) {
    %c0_i32 = arith.constant 0 : i32
    %c0_i32_0 = arith.constant 0 : i32
    %c0_i32_1 = arith.constant 0 : i32
    return %arg0, %c0_i32, %c0_i32_0 : i32, i32, i32
  }
  func.func @transform_2(%arg0: i32) -> (i32, i32) {
    %c0_i32 = arith.constant 0 : i32
    %c0_i32_0 = arith.constant 0 : i32
    %c0_i32_1 = arith.constant 0 : i32
    return %c0_i32, %c0_i32_0 : i32, i32
  }
}

module attributes {stable_mosaic.version = 14 : i64} {
  func.func @_scores_body(%arg0: i32, %arg1: memref<512x1024xf32, #tpu.memory_space<vmem>>, %arg2: memref<1024x512xf32, #tpu.memory_space<vmem>>, %arg3: memref<1x512xf32, #tpu.memory_space<vmem>>, %arg4: memref<512x512xf32, #tpu.memory_space<vmem>>, %arg5: memref<1x512xf32, #tpu.memory_space<vmem>>, %arg6: memref<256x512xf32, #tpu.memory_space<vmem>>, %arg7: memref<512x256xf32, #tpu.memory_space<vmem>>) attributes {dimension_semantics = [#tpu.dimension_semantics<arbitrary>], iteration_bounds = array<i64: 64>, scalar_prefetch = 0 : i64, scratch_operands = 0 : i64, tpu.core_type = #tpu.core_type<tc>, window_params = [{transform_indices = @transform_0, window_bounds = array<i64: 512, 1024>}, {pipeline_mode = #tpu.pipeline_mode<synchronous>, transform_indices = @transform_1, window_bounds = array<i64: 1024, 512>}, {pipeline_mode = #tpu.pipeline_mode<synchronous>, transform_indices = @transform_2, window_bounds = array<i64: 1, 512>}, {pipeline_mode = #tpu.pipeline_mode<synchronous>, transform_indices = @transform_3, window_bounds = array<i64: 512, 512>}, {pipeline_mode = #tpu.pipeline_mode<synchronous>, transform_indices = @transform_4, window_bounds = array<i64: 1, 512>}, {pipeline_mode = #tpu.pipeline_mode<synchronous>, transform_indices = @transform_5, window_bounds = array<i64: 256, 512>}, {transform_indices = @transform_6, window_bounds = array<i64: 512, 256>}]} {
    %get3A = arith.constant 0 : index
    %get3A_0 = arith.constant 0 : index
    %get3A_1 = vector.load %arg1[%get3A, %get3A_0] : memref<512x1024xf32, #tpu.memory_space<vmem>>, vector<512x1024xf32>
    %get3A_2 = arith.constant 0 : index
    %get3A_3 = arith.constant 0 : index
    %get3A_4 = vector.load %arg2[%get3A_2, %get3A_3] : memref<1024x512xf32, #tpu.memory_space<vmem>>, vector<1024x512xf32>
    %dot_general3A = arith.constant dense<0.000000e+00> : vector<512x512xf32>
    %dot_general3A_5 = tpu.matmul %get3A_1, %get3A_4, %dot_general3A {dimension_numbers = #tpu.dot_dimension_numbers<[1], [0], [0], [1], [0, 0, 1, 1], [], []>, transpose_lhs_hint = false} : vector<512x1024xf32>, vector<1024x512xf32>, vector<512x512xf32> -> vector<512x512xf32>
    %get3A_6 = arith.constant 0 : index
    %get3A_7 = arith.constant 0 : index
    %get3A_8 = vector.load %arg3[%get3A_6, %get3A_7] : memref<1x512xf32, #tpu.memory_space<vmem>>, vector<1x512xf32>
    %add3A = vector.broadcast %get3A_8 : vector<1x512xf32> to vector<512x512xf32>
    %add3A_9 = arith.addf %dot_general3A_5, %add3A : vector<512x512xf32>
    %max3A = arith.constant 0.000000e+00 : f32
    %max3A_10 = vector.broadcast %max3A : f32 to vector<512x512xf32>
    %max3A_11 = arith.maximumf %add3A_9, %max3A_10 : vector<512x512xf32>
    %get3A_12 = arith.constant 0 : index
    %get3A_13 = arith.constant 0 : index
    %get3A_14 = vector.load %arg4[%get3A_12, %get3A_13] : memref<512x512xf32, #tpu.memory_space<vmem>>, vector<512x512xf32>
    %dot_general3A_15 = arith.constant dense<0.000000e+00> : vector<512x512xf32>
    %dot_general3A_16 = tpu.matmul %max3A_11, %get3A_14, %dot_general3A_15 {dimension_numbers = #tpu.dot_dimension_numbers<[1], [0], [0], [1], [0, 0, 1, 1], [], []>, transpose_lhs_hint = false} : vector<512x512xf32>, vector<512x512xf32>, vector<512x512xf32> -> vector<512x512xf32>
    %get3A_17 = arith.constant 0 : index
    %get3A_18 = arith.constant 0 : index
    %get3A_19 = vector.load %arg5[%get3A_17, %get3A_18] : memref<1x512xf32, #tpu.memory_space<vmem>>, vector<1x512xf32>
    %add3A_20 = vector.broadcast %get3A_19 : vector<1x512xf32> to vector<512x512xf32>
    %add3A_21 = arith.addf %dot_general3A_16, %add3A_20 : vector<512x512xf32>
    %get3A_22 = arith.constant 0 : index
    %get3A_23 = arith.constant 0 : index
    %get3A_24 = vector.load %arg6[%get3A_22, %get3A_23] : memref<256x512xf32, #tpu.memory_space<vmem>>, vector<256x512xf32>
    %dot_general3A_25 = arith.constant dense<0.000000e+00> : vector<512x256xf32>
    %dot_general3A_26 = tpu.matmul %add3A_21, %get3A_24, %dot_general3A_25 {dimension_numbers = #tpu.dot_dimension_numbers<[1], [1], [0], [0], [0, 0, 1, 0], [], []>, transpose_lhs_hint = false} : vector<512x512xf32>, vector<256x512xf32>, vector<512x256xf32> -> vector<512x256xf32>
    %mul3A = arith.mulf %add3A_21, %add3A_21 : vector<512x512xf32>
    %reduce_sum3A = arith.constant dense<0.000000e+00> : vector<512xf32>
    %reduce_sum3A_27 = vector.multi_reduction <add>, %mul3A, %reduce_sum3A [1] : vector<512x512xf32> to vector<512xf32>
    %broadcast_in_dim3A = vector.shape_cast %reduce_sum3A_27 : vector<512xf32> to vector<512x1xf32>
    %mul3A_28 = arith.mulf %get3A_24, %get3A_24 : vector<256x512xf32>
    %reduce_sum3A_29 = arith.constant dense<0.000000e+00> : vector<256xf32>
    %reduce_sum3A_30 = vector.multi_reduction <add>, %mul3A_28, %reduce_sum3A_29 [1] : vector<256x512xf32> to vector<256xf32>
    %broadcast_in_dim3A_31 = vector.shape_cast %reduce_sum3A_30 : vector<256xf32> to vector<1x256xf32>
    %add3A_32 = vector.broadcast %broadcast_in_dim3A : vector<512x1xf32> to vector<512x256xf32>
    %add3A_33 = vector.broadcast %broadcast_in_dim3A_31 : vector<1x256xf32> to vector<512x256xf32>
    %add3A_34 = arith.addf %add3A_32, %add3A_33 : vector<512x256xf32>
    %mul3A_35 = arith.constant 2.000000e+00 : f32
    %mul3A_36 = vector.broadcast %mul3A_35 : f32 to vector<512x256xf32>
    %mul3A_37 = arith.mulf %mul3A_36, %dot_general3A_26 : vector<512x256xf32>
    %sub3A = arith.subf %add3A_34, %mul3A_37 : vector<512x256xf32>
    %swap3A = arith.constant 0 : index
    %swap3A_38 = arith.constant 0 : index
    %swap3A_39 = vector.load %arg7[%swap3A, %swap3A_38] : memref<512x256xf32, #tpu.memory_space<vmem>>, vector<512x256xf32>
    tpu.vector_store %arg7[%swap3A, %swap3A_38], %sub3A {strides = array<i32>} : memref<512x256xf32, #tpu.memory_space<vmem>>, vector<512x256xf32>,
    return
  }
  func.func @transform_0(%arg0: i32) -> (i32, i32) {
    %c0_i32 = arith.constant 0 : i32
    %c0_i32_0 = arith.constant 0 : i32
    return %arg0, %c0_i32 : i32, i32
  }
  func.func @transform_1(%arg0: i32) -> (i32, i32) {
    %c0_i32 = arith.constant 0 : i32
    %c0_i32_0 = arith.constant 0 : i32
    %c0_i32_1 = arith.constant 0 : i32
    return %c0_i32, %c0_i32_0 : i32, i32
  }
  func.func @transform_2(%arg0: i32) -> (i32, i32) {
    %c0_i32 = arith.constant 0 : i32
    %c0_i32_0 = arith.constant 0 : i32
    %c0_i32_1 = arith.constant 0 : i32
    return %c0_i32, %c0_i32_0 : i32, i32
  }
  func.func @transform_3(%arg0: i32) -> (i32, i32) {
    %c0_i32 = arith.constant 0 : i32
    %c0_i32_0 = arith.constant 0 : i32
    %c0_i32_1 = arith.constant 0 : i32
    return %c0_i32, %c0_i32_0 : i32, i32
  }
  func.func @transform_4(%arg0: i32) -> (i32, i32) {
    %c0_i32 = arith.constant 0 : i32
    %c0_i32_0 = arith.constant 0 : i32
    %c0_i32_1 = arith.constant 0 : i32
    return %c0_i32, %c0_i32_0 : i32, i32
  }
  func.func @transform_5(%arg0: i32) -> (i32, i32) {
    %c0_i32 = arith.constant 0 : i32
    %c0_i32_0 = arith.constant 0 : i32
    %c0_i32_1 = arith.constant 0 : i32
    return %c0_i32, %c0_i32_0 : i32, i32
  }
  func.func @transform_6(%arg0: i32) -> (i32, i32) {
    %c0_i32 = arith.constant 0 : i32
    %c0_i32_0 = arith.constant 0 : i32
    return %arg0, %c0_i32 : i32, i32
  }
}

module attributes {stable_mosaic.version = 14 : i64} {
  func.func @_tc_gather_body(%arg0: i32, %arg1: memref<1x1x1024xi32, #tpu.memory_space<vmem>>, %arg2: memref<256x512xf32, #tpu.memory_space<vmem>>, %arg3: memref<32768x512xf32, #tpu.memory_space<hbm>>, %arg4: memref<1024x512xf32, #tpu.memory_space<vmem>>) attributes {dimension_semantics = [#tpu.dimension_semantics<arbitrary>], iteration_bounds = array<i64: 31>, scalar_prefetch = 0 : i64, scratch_operands = 0 : i64, tpu.core_type = #tpu.core_type<tc>, window_params = [{transform_indices = @transform_0, window_bounds = array<i64: 1, 1, 1024>}, {pipeline_mode = #tpu.pipeline_mode<synchronous>, transform_indices = @transform_1, window_bounds = array<i64: 256, 512>}, {}, {transform_indices = @transform_3, window_bounds = array<i64: 1024, 512>}]} {
    %get3A = arith.constant 0 : index
    %get3A_0 = arith.constant 0 : index
    %get3A_1 = arith.constant 0 : index
    %get3A_2 = vector.load %arg1[%get3A, %get3A_0, %get3A_1] : memref<1x1x1024xi32, #tpu.memory_space<vmem>>, vector<1x1x1024xi32>
    %get3A_3 = vector.shape_cast %get3A_2 : vector<1x1x1024xi32> to vector<1024xi32>
    %broadcast_in_dim3A = vector.shape_cast %get3A_3 : vector<1024xi32> to vector<1024x1xi32>
    %iota3A = tpu.iota {dimensions = array<i32: 1>} : vector<1024x256xi32>
    %eq3A = vector.broadcast %broadcast_in_dim3A : vector<1024x1xi32> to vector<1024x256xi32>
    %eq3A_4 = arith.cmpi eq, %eq3A, %iota3A : vector<1024x256xi32>
    %convert_element_type3A = arith.extui %eq3A_4 : vector<1024x256xi1> to vector<1024x256xi32>
    %convert_element_type3A_5 = arith.sitofp %convert_element_type3A : vector<1024x256xi32> to vector<1024x256xf32>
    %get3A_6 = arith.constant 0 : index
    %get3A_7 = arith.constant 0 : index
    %get3A_8 = vector.load %arg2[%get3A_6, %get3A_7] : memref<256x512xf32, #tpu.memory_space<vmem>>, vector<256x512xf32>
    %convert_element_type3A_9 = arith.truncf %get3A_8 : vector<256x512xf32> to vector<256x512xbf16>
    %convert_element_type3A_10 = arith.extf %convert_element_type3A_9 : vector<256x512xbf16> to vector<256x512xf32>
    %sub3A = arith.subf %get3A_8, %convert_element_type3A_10 : vector<256x512xf32>
    %dot_general3A = arith.constant dense<0.000000e+00> : vector<1024x512xf32>
    %dot_general3A_11 = tpu.matmul %convert_element_type3A_5, %convert_element_type3A_10, %dot_general3A {dimension_numbers = #tpu.dot_dimension_numbers<[1], [0], [0], [1], [0, 0, 1, 1], [], []>, transpose_lhs_hint = false} : vector<1024x256xf32>, vector<256x512xf32>, vector<1024x512xf32> -> vector<1024x512xf32>
    %dot_general3A_12 = arith.constant dense<0.000000e+00> : vector<1024x512xf32>
    %dot_general3A_13 = tpu.matmul %convert_element_type3A_5, %sub3A, %dot_general3A_12 {dimension_numbers = #tpu.dot_dimension_numbers<[1], [0], [0], [1], [0, 0, 1, 1], [], []>, transpose_lhs_hint = false} : vector<1024x256xf32>, vector<256x512xf32>, vector<1024x512xf32> -> vector<1024x512xf32>
    %add3A = arith.addf %dot_general3A_11, %dot_general3A_13 : vector<1024x512xf32>
    %swap3A = arith.constant 0 : index
    %swap3A_14 = arith.constant 0 : index
    %swap3A_15 = vector.load %arg4[%swap3A, %swap3A_14] : memref<1024x512xf32, #tpu.memory_space<vmem>>, vector<1024x512xf32>
    tpu.vector_store %arg4[%swap3A, %swap3A_14], %add3A {strides = array<i32>} : memref<1024x512xf32, #tpu.memory_space<vmem>>, vector<1024x512xf32>,
    return
  }
  func.func @transform_0(%arg0: i32) -> (i32, i32, i32) {
    %add3A = arith.constant 1 : i32
    %add3A_0 = arith.addi %arg0, %add3A : i32
    %c0_i32 = arith.constant 0 : i32
    %c0_i32_1 = arith.constant 0 : i32
    %c0_i32_2 = arith.constant 0 : i32
    return %add3A_0, %c0_i32, %c0_i32_1 : i32, i32, i32
  }
  func.func @transform_1(%arg0: i32) -> (i32, i32) {
    %c0_i32 = arith.constant 0 : i32
    %c0_i32_0 = arith.constant 0 : i32
    %c0_i32_1 = arith.constant 0 : i32
    return %c0_i32, %c0_i32_0 : i32, i32
  }
  func.func @transform_3(%arg0: i32) -> (i32, i32) {
    %add3A = arith.constant 1 : i32
    %add3A_0 = arith.addi %arg0, %add3A : i32
    %c0_i32 = arith.constant 0 : i32
    %c0_i32_1 = arith.constant 0 : i32
    return %add3A_0, %c0_i32 : i32, i32
  }
}

</mosaic_0001>

<sc_bundles>
// kernel: kernel.6.cloned.1.call-start
scs
__scs_entry_jumppad:
0x0: {  	(pc) =	sbr.rel $0x88, $3  }
0x1: {  	(tag) =	ssettag $0x0;
	lr =	simm.s32 $0x1  }
0x2: {  	[smem:$0x3F9B] =	sst lr;
	_ =	strace $0xD0000000  }
0x3: {  	_ = 	snop  }
0x4: {  	_ = 	snop  }
0x5: {  	_ = 	snop  }
0x6: {  	_ = 	snop  }
0x7: {  	_ = 	snop  }
__scs_overlays_trampoline_lowered:
0x8: {  	[smem:$0x3FAA] =	sst s0  }
0x9: {  	[smem:$0x3FAB] =	sst s1  }
0xa: {  	[smem:$0x3FAC] =	sst s2  }
0xb: {  	[smem:$0x3FAD] =	sst s3  }
0xc: {  	[smem:$0x3FAE] =	sst s4  }
0xd: {  	[smem:$0x3FAF] =	sst s5  }
0xe: {  	[smem:$0x3FB0] =	sst s6  }
0xf: {  	[smem:$0x3FB1] =	sst s7  }
0x10: {  	[smem:$0x3FB2] =	sst s8  }
0x11: {  	[smem:$0x3FB3] =	sst s9;
	s0 =	simm.s32 @!p0 $0x0  }
0x12: {  	s1 =	sld [smem:$0x3F99];
	s0 =	simm.s32 @p0 $0x1  }
0x13: {  	[smem:$0x3FB4] =	sst s0;
	s0 =	simm.s32 @!p1 $0x0  }
0x14: {  	s2 =	sld [smem:$0x3F98];
	s0 =	simm.s32 @p1 $0x1  }
0x15: {  	[smem:$0x3FB5] =	sst s0;
	s0 =	simm.s32 @!p2 $0x0  }
0x16: {  	s3 =	sld [smem:$0x3FDB];
	s0 =	simm.s32 @p2 $0x1  }
0x17: {  	s4 =	simm.s32 $0x1BF5;
	[smem:$0x3FB7] =	sst s0  }
0x18: {  	s0 =	sld [smem:$0x3F9A];
	_ =	swait.ge [sflag:s4], $0x0  }
0x19: {  	s7 =	sld [smem:$0x3F9B]  }
0x1a: {  	s8 =	sadd.s32 $0xFFFFE003, lr  }
0x1b: {  	s9 =	sadd.s32 $0xFFFFFEF7, lr;
	s5 =	simm.s32 $0xFFFFFFFF;
	p2 =	slt.u32 s8, $0xFFFFF086  }
0x1c: {  	p1 =	slt.u32 s9, $0xF7A;
	s5 =	simm.s32 @!p2 $0x0  }
0x1d: {  	s5 =	simm.s32 @p1 $0x1;
	p0 =	seq.s32 s7, s2  }
0x1e: {  	s7 =	smul.u32 @!p0 $0xF7A, s2;
	p2 =	seq.s32 @!p0 s5, $0x0  }
0x1f: {  	s9 =	smul.u32 $0xF7A, s1;
	s8 =	simm.s32 @!p0 $0x1BF5;
	p2 =	por !p2, p0  }
0x20: {  	[sflag:s8] =	ssyncset.s32 @!p0 $0xFFFFF086;
	s6 =	sadd.s32 @!p0 s3, s7;
	s7 =	simm.s32 @!p0 $0x108  }
0x21: {  	s3 =	sadd.s32 s3, s9;
	s6 =	sadd.s32 @!p0 $0x88, s6;
	s7 =	simm.s32 @p2 $0x1082  }
0x22: {  	[simem:s7], [sflag:s8] =	dma.local @!p0 [hbm:s6], $0xF7A  }
0x23: {  	s9 =	sor.u32 $0xD0000000, s2;
	s6 =	simm.s32 $0x108;
	_ =	swait.ge @!p0 [sflag:s8], $0x0  }
0x24: {  	s3 =	sadd.s32 $0x88, s3;
	s6 =	simm.s32 @!p1 $0x1082;
	[sflag:s4] =	ssyncset.s32 $0xFFFFF086  }
0x25: {  	[simem:s6], [sflag:s4] =	dma.local [hbm:s3], $0xF7A  }
0x26: {  	[smem:$0x3F9B] =	sst s1;
	(tag) =	ssettag s2;
	_ =	strace s9  }
0x27: {  	s1 =	sld [smem:$0x3FAB]  }
0x28: {  	s2 =	sld [smem:$0x3FAC]  }
0x29: {  	s4 =	sld [smem:$0x3FAE]  }
0x2a: {  	p0 =	seq.s32 s5, $0x0;
	s5 =	sld [smem:$0x3FAF]  }
0x2b: {  	s6 =	sld [smem:$0x3FB0]  }
0x2c: {  	s7 =	sld [smem:$0x3FB1]  }
0x2d: {  	s3 =	simm.s32 $0x108;
	s8 =	sld [smem:$0x3FB2]  }
0x2e: {  	s3 =	simm.s32 @!p0 $0x1082;
	s9 =	sld [smem:$0x3FB3]  }
0x2f: {  	lr =	sadd.s32 s0, s3;
	s0 =	sld [smem:$0x3FAA]  }
0x30: {  	s3 =	sld [smem:$0x3FAD]  }
0x31: {  	[smem:$0x3FB6] =	sst s10  }
0x32: {  	s10 =	sld [smem:$0x3FB4];
	_ =	sdelay $0x3  }
0x33: {  	p0 =	seq.s32 s10, $0x1;
	s10 =	sld [smem:$0x3FB6];
	_ =	sdelay $0x3  }
0x34: {  	[smem:$0x3FB6] =	sst s10  }
0x35: {  	s10 =	sld [smem:$0x3FB5];
	_ =	sdelay $0x3  }
0x36: {  	p1 =	seq.s32 s10, $0x1;
	s10 =	sld [smem:$0x3FB6];
	_ =	sdelay $0x3  }
0x37: {  	[smem:$0x3FB6] =	sst s10  }
0x38: {  	s10 =	sld [smem:$0x3FB7]  }
0x39: {  	_ = 	snop;
	(pc) =	sbr.ind lr, $3  }
0x3a: {  	_ = 	snop  }
0x3b: {  	_ = 	snop  }
0x3c: {  	p2 =	seq.s32 s10, $0x1;
	s10 =	sld [smem:$0x3FB6]  }
0x3d: {  	_ =	shalt  }
0x3e: {  	_ =	shalt  }
0x3f: {  	_ =	shalt  }
0x40: {  	_ =	shalt  }
0x41: {  	_ =	shalt  }
0x42: {  	_ =	shalt  }
0x43: {  	_ =	shalt  }
0x44: {  	_ =	shalt  }
0x45: {  	_ =	shalt  }
0x46: {  	_ =	shalt  }
0x47: {  	_ =	shalt  }
0x48: {  	_ =	shalt  }
0x49: {  	_ =	shalt  }
0x4a: {  	_ =	shalt  }
0x4b: {  	_ =	shalt  }
0x4c: {  	_ =	shalt  }
0x4d: {  	_ =	shalt  }
0x4e: {  	_ =	shalt  }
0x4f: {  	_ =	shalt  }
0x50: {  	_ =	shalt  }
0x51: {  	_ =	shalt  }
0x52: {  	_ =	shalt  }
0x53: {  	_ =	shalt  }
0x54: {  	_ =	shalt  }
0x55: {  	_ =	shalt  }
0x56: {  	_ =	shalt  }
0x57: {  	_ =	shalt  }
0x58: {  	_ =	shalt  }
0x59: {  	_ =	shalt  }
0x5a: {  	_ =	shalt  }
0x5b: {  	_ =	shalt  }
0x5c: {  	_ =	shalt  }
0x5d: {  	_ =	shalt  }
0x5e: {  	_ =	shalt  }
0x5f: {  	_ =	shalt  }
0x60: {  	_ =	shalt  }
0x61: {  	_ =	shalt  }
0x62: {  	_ =	shalt  }
0x63: {  	_ =	shalt  }
0x64: {  	_ =	shalt  }
0x65: {  	_ =	shalt  }
0x66: {  	_ =	shalt  }
0x67: {  	_ =	shalt  }
0x68: {  	_ =	shalt  }
0x69: {  	_ =	shalt  }
0x6a: {  	_ =	shalt  }
0x6b: {  	_ =	shalt  }
0x6c: {  	_ =	shalt  }
0x6d: {  	_ =	shalt  }
0x6e: {  	_ =	shalt  }
0x6f: {  	_ =	shalt  }
0x70: {  	_ =	shalt  }
0x71: {  	_ =	shalt  }
0x72: {  	_ =	shalt  }
0x73: {  	_ =	shalt  }
0x74: {  	_ =	shalt  }
0x75: {  	_ =	shalt  }
0x76: {  	_ =	shalt  }
0x77: {  	_ =	shalt  }
0x78: {  	_ =	shalt  }
0x79: {  	_ =	shalt  }
0x7a: {  	_ =	shalt  }
0x7b: {  	_ =	shalt  }
0x7c: {  	_ =	shalt  }
0x7d: {  	_ =	shalt  }
0x7e: {  	_ =	shalt  }
0x7f: {  	_ =	shalt  }
0x80: {  	_ =	shalt  }
0x81: {  	_ =	shalt  }
0x82: {  	_ =	shalt  }
0x83: {  	_ =	shalt  }
0x84: {  	_ =	shalt  }
0x85: {  	_ =	shalt  }
0x86: {  	_ =	shalt  }
0x87: {  	_ =	shalt  }
.Lfunc_end0:
.L_simem_size_0:
called_computation_lowered:
.L_overlay_start_0:
0x88: {  	s2 =	sld [smem:$0x3FD9]  }
0x89: {  	s3 =	sld [smem:$0x3FFE];
	_ =	sdelay $0x1  }
0x8a: {  	s1 =	srdreg.scid  }
0x8b: {  	s0 =	sand.u32 $0x1, s1  }
0x8c: {  	s14 =	sshll.u32 s0, $0xA;
	s2 =	sadd.s32 s3, s2  }
0x8d: {  	s2 =	sadd.s32 s2, s14  }
0x8e: {  	[smem:$0x3FC2] =	sst s2  }
0x8f: {  	_ = 	snop  }
0x90: {  	s2 =	sld [smem:$0x3FD0];
	_ =	sdelay $0x2  }
0x91: {  	s4 =	simm.s32 $0xA;
	s5 =	simm.s32 $0x10;
	s15 =	sld [smem:$0x3FC4]  }
0x92: {  	[smem:s5], [sflag:s4] =	dma.local [hbm:s2], $0x1  }
0x93: {  	_ =	swait.eq [sflag:s4], $0x1  }
0x94: {  	[sflag:s4] =	ssyncset.done $0x0  }
0x95: {  	[sflag:s4] =	ssyncadd.s32 $0xFFFFFFFF  }
0x96: {  	s16 =	sld [smem:$0x11];
	(tm) =	ssettm $0x1  }
0x97: {  	s17 =	sld [smem:$0x3FFB];
	_ =	sdelay $0x3  }
0x98: {  	_ =	strace s17  }
0x99: {  	s4 =	sld [smem:$0x3FFC];
	_ =	sdelay $0x3  }
0x9a: {  	_ =	strace s4  }
0x9b: {  	s4 =	sld [smem:$0x3FFD];
	_ =	sdelay $0x3  }
0x9c: {  	_ =	strace s4  }
0x9d: {  	_ =	strace $0x8FFFFFFF  }
0x9e: {  	s18 =	sld [smem:$0x3FDB];
	_ =	sdelay $0x1  }
0x9f: {  	s19 =	simm.s32 $_scs_section_size  }
0xa0: {  	s6 =	simm.s32 $_size__tile_overlayer_lowered;
	s7 =	simm.s32 $_tile_overlayer_lowered  }
0xa1: {  	s22 =	simm.s32 $0x1BFF;
	s21 =	sshll.u32 s7, $0x1;
	s4 =	sadd.s32 s19, s18  }
0xa2: {  	s8 =	simm.s32 $0x0;
	s20 =	sshll.u32 s6, $0x1;
	s6 =	sadd.s32 s21, s4  }
0xa3: {  	[timem:s8], [sflag:s22] =	dma.local [hbm:s6], s20  }
0xa4: {  	_ =	swait.ge [sflag:s22], s20  }
0xa5: {  	s5 =	ssub.s32 $0x0, s20;
	[sflag:s22] =	ssyncset.done $0x0  }
0xa6: {  	[sflag:s22] =	ssyncadd.s32 s5;
	_ =	sdelay $0x1  }
0xa7: {  	s23 =	simm.s32 $0x1B8B  }
0xa8: {  	_ =	swait.ge [sflag:s23], $0x1  }
0xa9: {  	[sflag:s23] =	ssyncset.done $0x0  }
0xaa: {  	s25 =	simm.s32 $0x1B8E;
	s24 =	sld [smem:$0x3FFE];
	[sflag:s23] =	ssyncadd.s32 $0xFFFFFFFF  }
0xab: {  	s26 =	simm.s32 $execute0_lowered;
	[smem:$0x3FD2] =	sst s25  }
0xac: {  	s6 =	sshll.u32 s26, $0x1;
	_ =	strace $0x80000046;
	[dreg:$0x1] =	wrdreg $0xFFFFFFFF  }
0xad: {  	s28 =	simm.s32 $_size_execute0_lowered;
	s4 =	sadd.s32 s4, s6;
	[dreg:$0x0] =	wrdreg $0x0  }
0xae: {  	s6 =	sshll.u32 s28, $0x1;
	[dreg:$0x2] =	wrdreg s4  }
0xaf: {  	[dreg:$0x3] =	wrdreg s6  }
0xb0: {  	[dreg:$0x4] =	wrdreg $0xC0  }
0xb1: {  	_ =	task [dreg:s8], $0x5FFFF  }
0xb2: {  	[dreg:$0x1] =	wrdreg $0xFFFFFFFF  }
0xb3: {  	[dreg:$0x0] =	wrdreg $0x60  }
0xb4: {  	[dreg:$0x2] =	wrdreg s15  }
0xb5: {  	[dreg:$0x3] =	wrdreg s24  }
0xb6: {  	[dreg:$0x4] =	wrdreg s16  }
0xb7: {  	[dreg:$0x5] =	wrdreg $0x9  }
0xb8: {  	_ =	task.clear_ibuf [dreg:s8], $0x6FFFF;
	_ =	strace $0x90000046  }
0xb9: {  	s29 =	simm.s32 $0x9;
	_ =	strace $0x80000048  }
0xba: {  	_ =	swait.ge [sflag:s29], $0x1  }
0xbb: {  	[sflag:s29] =	ssyncadd.s32 $0xFFFFFFFF  }
0xbc: {  	_ =	strace $0x90000048  }
0xbd: {  	_ =	sfence  }
0xbe: {  	s30 =	sld [smem:$0x0];
	_ =	sdelay $0x2  }
0xbf: {  	s31 =	sshll.u32 s1, $0xD;
	s1 =	sshrl.u32 s1, $0x2  }
0xc0: {  	s3 =	sand.u32 $0x4000, s31;
	s1 =	sadd.s32 s1, s30  }
0xc1: {  	s0 =	sor.u32 s3, s0;
	s1 =	sshll.u32 s1, $0x11  }
0xc2: {  	s0 =	sor.u32 s1, s0  }
0xc3: {  	s0 =	sadd.s32 $0x8F2B, s0  }
0xc4: {  	[sflag:s0] =	ssyncadd.remote.s32 $0x1  }
0xc5: {  	_ =	sfence.sel $0xFFFF  }
0xc6: {  	[dreg:$0x0] =	wrdreg $0xFFFFFFFF;
	(pc) =	sbr.abs _section_cstart, $3  }
0xc7: {  	[dreg:$0x1] =	wrdreg $0xFFFFFFFF  }
0xc8: {  	_ =	task.clear_ibuf [dreg:s8], $0x2FFFF;
	_ =	strace $0x9FFFFFFF  }
0xc9: {  	(tm) =	ssettm $0x7FFFFFFF  }
tec
execute0_lowered:
.L_overlay_start_1:
0x0: {  	(tag) =	ssettag $0x1  }
0x1: {  	s2 =	rddreg [dreg:$0x0]  }
0x2: {  	s4 =	rddreg [dreg:$0x1];
	s0 =	srdreg.scid  }
0x3: {  	s6 =	rddreg [dreg:$0x2];
	s1 =	stileid.u32;
	s3 =	simm.s32 $0x0  }
0x4: {  	s10 =	simm.s32 $0x880;
	s11 =	simm.s32 $0x1080;
	s12 =	simm.s32 $0x1880  }
0x5: {  	s13 =	simm.s32 $0x2080;
	s14 =	simm.s32 $0x2880;
	s15 =	simm.s32 $0x3080  }
0x6: {  	s16 =	simm.s32 $0x3880;
	s17 =	simm.s32 $0x1;
	s5 =	sand.u32 $0x1, s0  }
0x7: {  	s0 =	rddreg [dreg:$0x3];
	s7 =	sshll.u32 s1, $0x6;
	s8 =	sshll.u32 s5, $0x5  }
0x8: {  	[smem:$0x7FF] =	sst s3;
	s5 =	ssub.s32 $0x2, s5;
	s7 =	sor.u32 s8, s7  }
0x9: {  	_ =	strace $0x80000047;
	s9 =	sshrl.u32 s5, $0x1;
	s8 =	sshrl.u32 s7, $0x3  }
0xa: {  	v2 =	vlaneseq.u32;
	s31 =	ssub.s32 s5, s9;
	s5 =	sadd.s32 $0x100, s2;
	s7 =	sshll.u32 s7, $0x6  }
0xb: {  	vm0 =	vmmov $0xffff;
	v1 =	vshrl.u32 v2, $0x3;
	s9 =	simm.s32 $0x80;
	s4 =	sadd.s32 s8, s4;
	s6 =	sadd.s32 s6, s7  }
0xc: {  	v0 =	vand.u32 $0x7, v2;
	v2 =	vor.u32 $0x8, v2;
	v1 =	vmul.u32 $0x8, v1;
	s7 =	smax.u32 s31, $0x1;
	s8 =	simm.s32 $0x2;
	s4 =	sadd.s32 $0xE00, s4  }
.LBB2_1:
0xd: {  	[tilespmem:s3], [sflag:$0x2] =	stream.linear.gather [hbm4b:s4+s3], $0x20, $0x38;
	[tilespmem:$0x8080] =	vst v63  }
0xe: {  	_ =	swait.ge [sflag:s8], $0x20  }
0xf: {  	[sflag:s8] =	ssyncset.done $0x0  }
0x10: {  	[sflag:s8] =	ssyncadd.s32 $0xFFFFFFE0  }
0x11: {  	v3 =	vld [tilespmem:$0x0];
	_ =	sdelay $0x4  }
0x12: {  	v4 =	vshll.u32 v3, $0x2  }
0x13: {  	v3 =	vand.u32 $0x7, v3;
	v4 =	vand.u32 $0xFFFFFFE0, v4  }
0x14: {  	v3 =	vor.u32 v3, v4  }
0x15: {  	v4 =	vperm.xlane v3, v0;
	_ =	sdelay $0x1  }
0x16: {  	v4 =	vadd.s32 v1, v4;
	_ =	sdelay $0x1  }
0x17: {  	v3 =	vperm.xlane v3, v2;
	_ =	sdelay $0x1  }
0x18: {  	v3 =	vadd.s32 v1, v3  }
0x19: {  	[tilespmem:s9], [sflag:$0x1] =	stream.indirect_vreg.gather [hbm4b:s2+s3], $0x80, v4, vm0, $0xb8;
	[tilespmem:$0x8080] =	vst v63  }
0x1a: {  	_ = 	snop  }
0x1b: {  	[tilespmem:s10], [sflag:$0x1] =	stream.indirect_vreg.gather [hbm4b:s5+s3], $0x80, v4, vm0, $0xb8;
	[tilespmem:$0x8080] =	vst v63  }
0x1c: {  	_ = 	snop  }
0x1d: {  	[tilespmem:s11], [sflag:$0x1] =	stream.indirect_vreg.gather [hbm4b:s2+s3], $0x80, v3, vm0, $0xb8;
	[tilespmem:$0x8080] =	vst v63  }
0x1e: {  	_ = 	snop  }
0x1f: {  	[tilespmem:s12], [sflag:$0x1] =	stream.indirect_vreg.gather [hbm4b:s5+s3], $0x80, v3, vm0, $0xb8;
	[tilespmem:$0x8080] =	vst v63  }
0x20: {  	v3 =	vld [tilespmem:$0x10];
	_ =	sdelay $0x4  }
0x21: {  	v63 =	vshll.u32 v3, $0x2  }
0x22: {  	v3 =	vand.u32 $0x7, v3;
	v4 =	vand.u32 $0xFFFFFFE0, v63  }
0x23: {  	v3 =	vor.u32 v3, v4  }
0x24: {  	v4 =	vperm.xlane v3, v0;
	_ =	sdelay $0x1  }
0x25: {  	v4 =	vadd.s32 v1, v4;
	_ =	sdelay $0x1  }
0x26: {  	v3 =	vperm.xlane v3, v2;
	_ =	sdelay $0x1  }
0x27: {  	v3 =	vadd.s32 v1, v3  }
0x28: {  	[tilespmem:s13], [sflag:$0x1] =	stream.indirect_vreg.gather [hbm4b:s2+s3], $0x80, v4, vm0, $0xb8;
	[tilespmem:$0x8080] =	vst v63  }
0x29: {  	_ = 	snop  }
0x2a: {  	[tilespmem:s14], [sflag:$0x1] =	stream.indirect_vreg.gather [hbm4b:s5+s3], $0x80, v4, vm0, $0xb8;
	[tilespmem:$0x8080] =	vst v63  }
0x2b: {  	_ = 	snop  }
0x2c: {  	[tilespmem:s15], [sflag:$0x1] =	stream.indirect_vreg.gather [hbm4b:s2+s3], $0x80, v3, vm0, $0xb8;
	[tilespmem:$0x8080] =	vst v63  }
0x2d: {  	_ = 	snop  }
0x2e: {  	[tilespmem:s16], [sflag:$0x1] =	stream.indirect_vreg.gather [hbm4b:s5+s3], $0x80, v3, vm0, $0xb8;
	[tilespmem:$0x8080] =	vst v63  }
0x2f: {  	_ =	swait.ge [sflag:s17], $0x4000  }
0x30: {  	p0 =	sne.s32 s7, $0x1;
	[sflag:s17] =	ssyncset.done $0x0  }
.Ltmp0:
0x31: {  	[sflag:s17] =	ssyncadd.s32 $0xFFFFC000;
	(pc) =	sbr.rel @p0 .LBB2_1-.Ltmp0, $4  }
0x32: {  	[hbm4b:s6+s3] =	stream.linear.scatter [tilespmem:s9], [sflag:$0x2], $0x4000, $0x38;
	[tilespmem:$0x8080] =	vst v63  }
0x33: {  	_ =	swait.ge [sflag:s8], $0x4000  }
0x34: {  	[sflag:s8] =	ssyncset.done $0x0  }
0x35: {  	s7 =	sadd.s32 $0xFFFFFFFF, s7;
	[sflag:s8] =	ssyncadd.s32 $0xFFFFC000  }
0x36: {  	_ =	sfence.sel $0x180000  }
0x37: {  	[bflag:$0x0] =	sbarrier.arrive $0xFFFF  }
0x38: {  	p0 =	sne.s32 s1, $0x0;
	_ =	strace $0x90000047  }
0x39: {  	s0 =	sadd.s32 @!p0 $0x100000, s0;
	[bflag:$0x2] =	sbarrier.arrive $0xFFFF  }
0x3a: {  	[sflag:s0] =	ssyncadd.tile.s32 @!p0 $0x1;
	_ =	shalt  }
.Lfunc_end2:
_tile_overlayer_lowered:
.L_overlay_start_2:
0x3b: {  	(tag) =	ssettag $0x2  }
0x3c: {  	s0 =	rddreg [dreg:$0x0];
	s2 =	stileid.u32  }
0x3d: {  	s1 =	rddreg [dreg:$0x1];
	p0 =	sne.s32 s2, $0x0  }
0x3e: {  	s3 =	rddreg [dreg:$0x2];
	[bflag:$0x3] =	sbarrier.arrive $0xFFFF;
	s2 =	simm.s32 @!p0 $0x1C02  }
0x3f: {  	[timem:s3], [sflag:s2] =	dma.local @!p0 [hbm:s0], s1  }
0x40: {  	s0 =	simm.s32 @!p0 $0x2  }
0x41: {  	_ =	swait.ge @!p0 [sflag:s0], s1  }
0x42: {  	s1 =	ssub.s32 @!p0 $0x0, s1;
	[sflag:s0] =	ssyncset.done @!p0 $0x0  }
0x43: {  	[sflag:s0] =	ssyncadd.s32 @!p0 s1  }
0x44: {  	[bflag:$0x3] =	sbarrier.arrive $0xFFFF  }
0x45: {  	_ =	shalt  }

</sc_bundles>
